<compile_context>
chip_gen: v7x
topology: tpu7x:2x2x1
jax: 0.10.2.dev20260603
libtpu: 0.0.44.dev20260713+nightly
codegen_flags: <defaults>
</compile_context>

<pallas_src>
import functools

import jax
import jax.numpy as jnp
from jax import lax
from jax.experimental import pallas as pl
from jax.experimental.pallas import tpu as pltpu
from jax.experimental.pallas import tpu_sc as plsc

N_ROWS = 524288
N_CLS = 100
EPS_SPEC = 1e-07

BLK = 32768
GRID = N_ROWS // BLK

NC, NS, LANES = 2, 16, 16
NW = NC * NS
CHUNK = N_ROWS // NW
NVEC = CHUNK // LANES
CPAD = 128
HSECT = LANES * CPAD
HWORDS = 3 * HSECT


def _argmax_body(ypt_ref, out_ref):
    yp = ypt_ref[...]
    m = jnp.max(yp, axis=0, keepdims=True)
    rowid_f = lax.broadcasted_iota(jnp.int32, (N_CLS, BLK), 0).astype(
        jnp.float32)
    cand = jnp.where(yp == m, rowid_f, jnp.float32(N_CLS))
    pred = jnp.min(cand, axis=0, keepdims=True)
    out_ref[...] = pred.astype(jnp.int32)


_argmax_call = pl.pallas_call(
    _argmax_body,
    grid=(GRID,),
    in_specs=[pl.BlockSpec((N_CLS, BLK), lambda i: (0, i))],
    out_specs=pl.BlockSpec((1, BLK), lambda i: (0, i)),
    out_shape=jax.ShapeDtypeStruct((1, N_ROWS), jnp.int32),
)


def _hist_body(preds_hbm, yt_hbm, out_hbm, pv, tv, hist, idxv, shared, sem):
    cid = lax.axis_index("c")
    sid = lax.axis_index("s")
    wid = cid * NS + sid
    base = wid * CHUNK

    pltpu.sync_copy(preds_hbm.at[pl.ds(base, CHUNK)], pv)
    pltpu.sync_copy(yt_hbm.at[pl.ds(base, CHUNK)], tv)

    zeros16 = jnp.zeros((LANES,), jnp.int32)

    def zero_body(j, _):
        hist[j, pl.ds(0, LANES)] = zeros16
        hist[j, pl.ds(LANES, LANES)] = zeros16
        return 0

    lax.fori_loop(0, CPAD, zero_body, 0)

    lane = jnp.arange(LANES, dtype=jnp.int32)
    ones16 = jnp.ones((LANES,), jnp.int32)
    enc_hit = jnp.full((LANES,), 1 + (1 << 15), jnp.int32)

    UNROLL = 8

    def acc_body(j, _):
        for u in range(UNROLL):
            p = pv[pl.ds((j * UNROLL + u) * LANES, LANES)]
            t = tv[pl.ds((j * UNROLL + u) * LANES, LANES)]
            enc = jnp.where(p == t, enc_hit, ones16)
            plsc.addupdate_scatter(hist, [p, lane], enc)
            plsc.addupdate_scatter(hist, [t, lane + LANES], ones16)
        return 0

    lax.fori_loop(0, NVEC // UNROLL, acc_body, 0)

    def dec_body(j, _):
        ep = hist[j, pl.ds(0, LANES)]
        hist[j, pl.ds(0, LANES)] = ep & 0x7FFF
        hist[j, pl.ds(2 * LANES, LANES)] = lax.shift_right_logical(ep, 15)
        return 0

    lax.fori_loop(0, CPAD, dec_body, 0)

    def idx_body(j, _):
        idxv[pl.ds(j * LANES, LANES)] = lane + j * LANES
        return 0

    lax.fori_loop(0, CPAD // LANES, idx_body, 0)

    @pl.when(sid == 0)
    def _seed():
        pltpu.sync_copy(hist, shared)

    plsc.subcore_barrier()

    @pl.when(sid != 0)
    def _accum():
        pltpu.sync_copy(hist, shared.at[idxv], add=True)

    plsc.subcore_barrier()

    @pl.when(sid == 0)
    def _emit():
        pltpu.sync_copy(shared, out_hbm.at[cid])


@functools.cache
def _hist_call():
    return functools.partial(
        pl.kernel,
        out_type=jax.ShapeDtypeStruct((NC, CPAD, CPAD), jnp.int32),
        mesh=plsc.VectorSubcoreMesh(core_axis_name="c", subcore_axis_name="s",
                                    num_cores=NC, num_subcores=NS),
        scratch_types=[
            pltpu.VMEM((CHUNK,), jnp.int32),
            pltpu.VMEM((CHUNK,), jnp.int32),
            pltpu.VMEM((CPAD, CPAD), jnp.int32),
            pltpu.VMEM((CPAD,), jnp.int32),
            pltpu.VMEM_SHARED((CPAD, CPAD), jnp.int32),
            pltpu.SemaphoreType.DMA,
        ],
        compiler_params=pltpu.CompilerParams(needs_layout_passes=False),
    )(_hist_body)


def _finalize_body(part_ref, out_ref):
    s = (part_ref[0] + part_ref[1]).astype(jnp.float32)
    col = jnp.sum(s[:, 0:LANES], axis=1, keepdims=True)
    row = jnp.sum(s[:, LANES:2 * LANES], axis=1, keepdims=True)
    diag = jnp.sum(s[:, 2 * LANES:3 * LANES], axis=1, keepdims=True)
    total = jnp.float32(N_ROWS)
    tn = total - row - col + diag
    fp = row - diag
    ratio = tn / (tn + fp + jnp.float32(EPS_SPEC))
    classid = lax.broadcasted_iota(jnp.int32, (CPAD, 1), 0)
    ratio = jnp.where(classid < N_CLS, ratio, 0.0)
    out_ref[...] = lax.broadcast(jnp.sum(ratio) / N_CLS, (1, 1))


_finalize_call = pl.pallas_call(
    _finalize_body,
    out_shape=jax.ShapeDtypeStruct((1, 1), jnp.float32),
)


@jax.jit
def kernel(y_pred, y_true):
    preds = _argmax_call(y_pred.T).reshape(N_ROWS)
    partials = _hist_call()(preds, y_true)
    return _finalize_call(partials)[0, 0]

# --- scband reference (transcript-rebuilt; emitter-appended) ---
"""Pipeline reference for scband-specificity-66365834657894 (READ-ONLY COPY).

The authoritative reference and input builder live on the scoring server;
editing this copy changes nothing except your own understanding.
"""

import jax, jax.numpy as jnp
import numpy as np

N = 524288
C = 100
EPS = 1e-07


def setup_inputs(seed: int = 0) -> dict:
    key = jax.random.key(seed)
    k1, k2 = jax.random.split(key)
    y_pred = jax.random.normal(k1, (N, C), dtype=jnp.float32)
    y_true = jax.random.randint(k2, (N,), 0, C, dtype=jnp.int32)
    return {"y_pred": y_pred, "y_true": y_true}


def reference(y_pred, y_true):
    # confusion_matrix: conf[t, p] += 1 for each (true, pred) pair
    preds = jnp.argmax(y_pred, axis=1)
    conf = jnp.zeros((C, C), dtype=jnp.float32).at[y_true, preds].add(1.0)
    # Specificity per label:
    #   TN(l) = sum of conf excluding row l and column l
    #   FP(l) = sum of row l excluding diagonal element
    total = conf.sum()
    row_sums = conf.sum(axis=1)
    col_sums = conf.sum(axis=0)
    diag = jnp.diag(conf)
    TN = total - row_sums - col_sums + diag
    FP = row_sums - diag
    specificity = jnp.sum(TN / (TN + FP + EPS)) / C
    return specificity

if __name__ == "__main__":
    import jax
    _d = setup_inputs()
    print(jax.jit(kernel)(*tuple(_d.values())))

</pallas_src>

<mosaic_0001>
#map = affine_map<(d0, d1) -> (0)>
#map1 = affine_map<(d0, d1) -> (0, 0, 0)>
module attributes {stable_mosaic.version = 14 : i64} {
  func.func @_hist_body(%arg0: i32, %arg1: i32, %arg2: memref<524288xi32, #tpu.memory_space<hbm>>, %arg3: memref<524288xi32, #tpu.memory_space<hbm>>, %arg4: memref<2x128x128xi32, #tpu.memory_space<hbm>>, %arg5: memref<16384xi32, #tpu.memory_space<vmem>>, %arg6: memref<16384xi32, #tpu.memory_space<vmem>>, %arg7: memref<128x128xi32, #tpu.memory_space<vmem>>, %arg8: memref<128xi32, #tpu.memory_space<vmem>>, %arg9: memref<128x128xi32, #tpu.memory_space<vmem_shared>>, %arg10: memref<!tpu.dma_semaphore, #tpu.memory_space<semaphore_mem>>) attributes {dimension_semantics = [#tpu.dimension_semantics<core_parallel>, #tpu.dimension_semantics<subcore_parallel>], iteration_bounds = array<i64: 2, 16>, scalar_prefetch = 0 : i64, scratch_operands = 6 : i64, tpu.core_type = #tpu.core_type<sc_vector_subcore>, window_params = [{transform_indices = #map}, {transform_indices = #map}, {transform_indices = #map1}]} {
    %mul3A = arith.constant 16 : i32
    %mul3A_0 = arith.muli %arg0, %mul3A : i32
    %add3A = arith.addi %mul3A_0, %arg1 : i32
    %mul3A_1 = arith.constant 16384 : i32
    %mul3A_2 = arith.muli %add3A, %mul3A_1 : i32
    "tpu.region"() ({
      %run_scoped3A = tpu.sem_alloc : memref<!tpu.dma_semaphore, #tpu.memory_space<semaphore_mem>>
      %dma_start3A = tpu.memref_slice %arg2[%mul3A_2] : memref<524288xi32, #tpu.memory_space<hbm>> -> memref<16384xi32, #tpu.memory_space<hbm>>
      %dma_start3A_47 = tpu.memref_slice %arg2[%mul3A_2] : memref<524288xi32, #tpu.memory_space<hbm>> -> memref<16384xi32, #tpu.memory_space<hbm>>
      tpu.enqueue_dma source(%dma_start3A_47 : memref<16384xi32, #tpu.memory_space<hbm>>) target(%arg5 : memref<16384xi32, #tpu.memory_space<vmem>>) target_semaphore(%run_scoped3A : memref<!tpu.dma_semaphore, #tpu.memory_space<semaphore_mem>>)
      %dma_wait3A = tpu.memref_slice %arg2[%mul3A_2] : memref<524288xi32, #tpu.memory_space<hbm>> -> memref<16384xi32, #tpu.memory_space<hbm>>
      %dma_wait3A_48 = tpu.memref_slice %arg2[%mul3A_2] : memref<524288xi32, #tpu.memory_space<hbm>> -> memref<16384xi32, #tpu.memory_space<hbm>>
      tpu.wait_dma2 semaphore(%run_scoped3A : memref<!tpu.dma_semaphore, #tpu.memory_space<semaphore_mem>>) src(%dma_wait3A_48 : memref<16384xi32, #tpu.memory_space<hbm>>) dst(%arg5 : memref<16384xi32, #tpu.memory_space<vmem>>)
      tpu.yield
    }) : () -> ()
    "tpu.region"() ({
      %run_scoped3A = tpu.sem_alloc : memref<!tpu.dma_semaphore, #tpu.memory_space<semaphore_mem>>
      %dma_start3A = tpu.memref_slice %arg3[%mul3A_2] : memref<524288xi32, #tpu.memory_space<hbm>> -> memref<16384xi32, #tpu.memory_space<hbm>>
      %dma_start3A_47 = tpu.memref_slice %arg3[%mul3A_2] : memref<524288xi32, #tpu.memory_space<hbm>> -> memref<16384xi32, #tpu.memory_space<hbm>>
      tpu.enqueue_dma source(%dma_start3A_47 : memref<16384xi32, #tpu.memory_space<hbm>>) target(%arg6 : memref<16384xi32, #tpu.memory_space<vmem>>) target_semaphore(%run_scoped3A : memref<!tpu.dma_semaphore, #tpu.memory_space<semaphore_mem>>)
      %dma_wait3A = tpu.memref_slice %arg3[%mul3A_2] : memref<524288xi32, #tpu.memory_space<hbm>> -> memref<16384xi32, #tpu.memory_space<hbm>>
      %dma_wait3A_48 = tpu.memref_slice %arg3[%mul3A_2] : memref<524288xi32, #tpu.memory_space<hbm>> -> memref<16384xi32, #tpu.memory_space<hbm>>
      tpu.wait_dma2 semaphore(%run_scoped3A : memref<!tpu.dma_semaphore, #tpu.memory_space<semaphore_mem>>) src(%dma_wait3A_48 : memref<16384xi32, #tpu.memory_space<hbm>>) dst(%arg6 : memref<16384xi32, #tpu.memory_space<vmem>>)
      tpu.yield
    }) : () -> ()
    %broadcast_in_dim3A = arith.constant 0 : i32
    %broadcast_in_dim3A_3 = vector.broadcast %broadcast_in_dim3A : i32 to vector<16xi32>
    %scan3A = arith.constant 0 : i32
    %scan3A_4 = arith.constant 0 : i32
    %scan3A_5 = arith.constant 128 : i32
    %scan3A_6 = arith.addi %scan3A_4, %scan3A_5 : i32
    %scan3A_7 = arith.constant 1 : i32
    %scan3A_8 = scf.for %scan3A_47 = %scan3A_4 to %scan3A_6 step %scan3A_7 iter_args(%scan3A_48 = %scan3A) -> (i32)  : i32 {
      %swap3A = arith.index_cast %scan3A_47 : i32 to index
      %swap3A_49 = arith.constant 0 : index
      %swap3A_50 = tpu.vector_load %arg7[%swap3A, %swap3A_49] {strides = array<i32>} : memref<128x128xi32, #tpu.memory_space<vmem>>, vector<16xi32>,
      tpu.vector_store %arg7[%swap3A, %swap3A_49], %broadcast_in_dim3A_3 {strides = array<i32>} : memref<128x128xi32, #tpu.memory_space<vmem>>, vector<16xi32>,
      %swap3A_51 = arith.index_cast %scan3A_47 : i32 to index
      %swap3A_52 = arith.constant 16 : index
      %swap3A_53 = tpu.vector_load %arg7[%swap3A_51, %swap3A_52] {strides = array<i32>} : memref<128x128xi32, #tpu.memory_space<vmem>>, vector<16xi32>,
      tpu.vector_store %arg7[%swap3A_51, %swap3A_52], %broadcast_in_dim3A_3 {strides = array<i32>} : memref<128x128xi32, #tpu.memory_space<vmem>>, vector<16xi32>,
      %scan3A_54 = arith.constant 0 : i32
      scf.yield %scan3A_54 : i32
    }
    %scan3A_9 = arith.constant 128 : i32
    %iota3A = tpu.iota {dimensions = array<i32: 0>} : vector<16xi32>
    %broadcast_in_dim3A_10 = arith.constant 1 : i32
    %broadcast_in_dim3A_11 = vector.broadcast %broadcast_in_dim3A_10 : i32 to vector<16xi32>
    %broadcast_in_dim3A_12 = arith.constant 32769 : i32
    %broadcast_in_dim3A_13 = vector.broadcast %broadcast_in_dim3A_12 : i32 to vector<16xi32>
    %scan3A_14 = arith.constant 0 : i32
    %scan3A_15 = arith.constant 0 : i32
    %scan3A_16 = arith.constant 128 : i32
    %scan3A_17 = arith.addi %scan3A_15, %scan3A_16 : i32
    %scan3A_18 = arith.constant 1 : i32
    %scan3A_19 = scf.for %scan3A_47 = %scan3A_15 to %scan3A_17 step %scan3A_18 iter_args(%scan3A_48 = %scan3A_14) -> (i32)  : i32 {
      %mul3A_49 = arith.constant 8 : i32
      %mul3A_50 = arith.muli %scan3A_47, %mul3A_49 : i32
      %add3A_51 = arith.constant 0 : i32
      %add3A_52 = arith.addi %mul3A_50, %add3A_51 : i32
      %mul3A_53 = arith.constant 16 : i32
      %mul3A_54 = arith.muli %add3A_52, %mul3A_53 : i32
      %get3A = arith.index_cast %mul3A_54 : i32 to index
      %get3A_55 = tpu.vector_load %arg5[%get3A] {strides = array<i32>} : memref<16384xi32, #tpu.memory_space<vmem>>, vector<16xi32>,
      %mul3A_56 = arith.constant 8 : i32
      %mul3A_57 = arith.muli %scan3A_47, %mul3A_56 : i32
      %add3A_58 = arith.constant 0 : i32
      %add3A_59 = arith.addi %mul3A_57, %add3A_58 : i32
      %mul3A_60 = arith.constant 16 : i32
      %mul3A_61 = arith.muli %add3A_59, %mul3A_60 : i32
      %get3A_62 = arith.index_cast %mul3A_61 : i32 to index
      %get3A_63 = tpu.vector_load %arg6[%get3A_62] {strides = array<i32>} : memref<16384xi32, #tpu.memory_space<vmem>>, vector<16xi32>,
      %eq3A_64 = arith.cmpi eq, %get3A_55, %get3A_63 : vector<16xi32>
      %select_n3A = arith.select %eq3A_64, %broadcast_in_dim3A_13, %broadcast_in_dim3A_11 : vector<16xi1>, vector<16xi32>
      tpu.vector_store_idx %arg7[%get3A_55, %iota3A], %select_n3A {add = true} : memref<128x128xi32, #tpu.memory_space<vmem>>[vector<16xi32>, vector<16xi32>], vector<16xi32>,
      %add3A_65 = arith.constant 16 : i32
      %add3A_66 = vector.broadcast %add3A_65 : i32 to vector<16xi32>
      %add3A_67 = arith.addi %iota3A, %add3A_66 : vector<16xi32>
      tpu.vector_store_idx %arg7[%get3A_63, %add3A_67], %broadcast_in_dim3A_11 {add = true} : memref<128x128xi32, #tpu.memory_space<vmem>>[vector<16xi32>, vector<16xi32>], vector<16xi32>,
      %mul3A_68 = arith.constant 8 : i32
      %mul3A_69 = arith.muli %scan3A_47, %mul3A_68 : i32
      %add3A_70 = arith.constant 1 : i32
      %add3A_71 = arith.addi %mul3A_69, %add3A_70 : i32
      %mul3A_72 = arith.constant 16 : i32
      %mul3A_73 = arith.muli %add3A_71, %mul3A_72 : i32
      %get3A_74 = arith.index_cast %mul3A_73 : i32 to index
      %get3A_75 = tpu.vector_load %arg5[%get3A_74] {strides = array<i32>} : memref<16384xi32, #tpu.memory_space<vmem>>, vector<16xi32>,
      %mul3A_76 = arith.constant 8 : i32
      %mul3A_77 = arith.muli %scan3A_47, %mul3A_76 : i32
      %add3A_78 = arith.constant 1 : i32
      %add3A_79 = arith.addi %mul3A_77, %add3A_78 : i32
      %mul3A_80 = arith.constant 16 : i32
      %mul3A_81 = arith.muli %add3A_79, %mul3A_80 : i32
      %get3A_82 = arith.index_cast %mul3A_81 : i32 to index
      %get3A_83 = tpu.vector_load %arg6[%get3A_82] {strides = array<i32>} : memref<16384xi32, #tpu.memory_space<vmem>>, vector<16xi32>,
      %eq3A_84 = arith.cmpi eq, %get3A_75, %get3A_83 : vector<16xi32>
      %select_n3A_85 = arith.select %eq3A_84, %broadcast_in_dim3A_13, %broadcast_in_dim3A_11 : vector<16xi1>, vector<16xi32>
      tpu.vector_store_idx %arg7[%get3A_75, %iota3A], %select_n3A_85 {add = true} : memref<128x128xi32, #tpu.memory_space<vmem>>[vector<16xi32>, vector<16xi32>], vector<16xi32>,
      %add3A_86 = arith.constant 16 : i32
      %add3A_87 = vector.broadcast %add3A_86 : i32 to vector<16xi32>
      %add3A_88 = arith.addi %iota3A, %add3A_87 : vector<16xi32>
      tpu.vector_store_idx %arg7[%get3A_83, %add3A_88], %broadcast_in_dim3A_11 {add = true} : memref<128x128xi32, #tpu.memory_space<vmem>>[vector<16xi32>, vector<16xi32>], vector<16xi32>,
      %mul3A_89 = arith.constant 8 : i32
      %mul3A_90 = arith.muli %scan3A_47, %mul3A_89 : i32
      %add3A_91 = arith.constant 2 : i32
      %add3A_92 = arith.addi %mul3A_90, %add3A_91 : i32
      %mul3A_93 = arith.constant 16 : i32
      %mul3A_94 = arith.muli %add3A_92, %mul3A_93 : i32
      %get3A_95 = arith.index_cast %mul3A_94 : i32 to index
      %get3A_96 = tpu.vector_load %arg5[%get3A_95] {strides = array<i32>} : memref<16384xi32, #tpu.memory_space<vmem>>, vector<16xi32>,
      %mul3A_97 = arith.constant 8 : i32
      %mul3A_98 = arith.muli %scan3A_47, %mul3A_97 : i32
      %add3A_99 = arith.constant 2 : i32
      %add3A_100 = arith.addi %mul3A_98, %add3A_99 : i32
      %mul3A_101 = arith.constant 16 : i32
      %mul3A_102 = arith.muli %add3A_100, %mul3A_101 : i32
      %get3A_103 = arith.index_cast %mul3A_102 : i32 to index
      %get3A_104 = tpu.vector_load %arg6[%get3A_103] {strides = array<i32>} : memref<16384xi32, #tpu.memory_space<vmem>>, vector<16xi32>,
      %eq3A_105 = arith.cmpi eq, %get3A_96, %get3A_104 : vector<16xi32>
      %select_n3A_106 = arith.select %eq3A_105, %broadcast_in_dim3A_13, %broadcast_in_dim3A_11 : vector<16xi1>, vector<16xi32>
      tpu.vector_store_idx %arg7[%get3A_96, %iota3A], %select_n3A_106 {add = true} : memref<128x128xi32, #tpu.memory_space<vmem>>[vector<16xi32>, vector<16xi32>], vector<16xi32>,
      %add3A_107 = arith.constant 16 : i32
      %add3A_108 = vector.broadcast %add3A_107 : i32 to vector<16xi32>
      %add3A_109 = arith.addi %iota3A, %add3A_108 : vector<16xi32>
      tpu.vector_store_idx %arg7[%get3A_104, %add3A_109], %broadcast_in_dim3A_11 {add = true} : memref<128x128xi32, #tpu.memory_space<vmem>>[vector<16xi32>, vector<16xi32>], vector<16xi32>,
      %mul3A_110 = arith.constant 8 : i32
      %mul3A_111 = arith.muli %scan3A_47, %mul3A_110 : i32
      %add3A_112 = arith.constant 3 : i32
      %add3A_113 = arith.addi %mul3A_111, %add3A_112 : i32
      %mul3A_114 = arith.constant 16 : i32
      %mul3A_115 = arith.muli %add3A_113, %mul3A_114 : i32
      %get3A_116 = arith.index_cast %mul3A_115 : i32 to index
      %get3A_117 = tpu.vector_load %arg5[%get3A_116] {strides = array<i32>} : memref<16384xi32, #tpu.memory_space<vmem>>, vector<16xi32>,
      %mul3A_118 = arith.constant 8 : i32
      %mul3A_119 = arith.muli %scan3A_47, %mul3A_118 : i32
      %add3A_120 = arith.constant 3 : i32
      %add3A_121 = arith.addi %mul3A_119, %add3A_120 : i32
      %mul3A_122 = arith.constant 16 : i32
      %mul3A_123 = arith.muli %add3A_121, %mul3A_122 : i32
      %get3A_124 = arith.index_cast %mul3A_123 : i32 to index
      %get3A_125 = tpu.vector_load %arg6[%get3A_124] {strides = array<i32>} : memref<16384xi32, #tpu.memory_space<vmem>>, vector<16xi32>,
      %eq3A_126 = arith.cmpi eq, %get3A_117, %get3A_125 : vector<16xi32>
      %select_n3A_127 = arith.select %eq3A_126, %broadcast_in_dim3A_13, %broadcast_in_dim3A_11 : vector<16xi1>, vector<16xi32>
      tpu.vector_store_idx %arg7[%get3A_117, %iota3A], %select_n3A_127 {add = true} : memref<128x128xi32, #tpu.memory_space<vmem>>[vector<16xi32>, vector<16xi32>], vector<16xi32>,
      %add3A_128 = arith.constant 16 : i32
      %add3A_129 = vector.broadcast %add3A_128 : i32 to vector<16xi32>
      %add3A_130 = arith.addi %iota3A, %add3A_129 : vector<16xi32>
      tpu.vector_store_idx %arg7[%get3A_125, %add3A_130], %broadcast_in_dim3A_11 {add = true} : memref<128x128xi32, #tpu.memory_space<vmem>>[vector<16xi32>, vector<16xi32>], vector<16xi32>,
      %mul3A_131 = arith.constant 8 : i32
      %mul3A_132 = arith.muli %scan3A_47, %mul3A_131 : i32
      %add3A_133 = arith.constant 4 : i32
      %add3A_134 = arith.addi %mul3A_132, %add3A_133 : i32
      %mul3A_135 = arith.constant 16 : i32
      %mul3A_136 = arith.muli %add3A_134, %mul3A_135 : i32
      %get3A_137 = arith.index_cast %mul3A_136 : i32 to index
      %get3A_138 = tpu.vector_load %arg5[%get3A_137] {strides = array<i32>} : memref<16384xi32, #tpu.memory_space<vmem>>, vector<16xi32>,
      %mul3A_139 = arith.constant 8 : i32
      %mul3A_140 = arith.muli %scan3A_47, %mul3A_139 : i32
      %add3A_141 = arith.constant 4 : i32
      %add3A_142 = arith.addi %mul3A_140, %add3A_141 : i32
      %mul3A_143 = arith.constant 16 : i32
      %mul3A_144 = arith.muli %add3A_142, %mul3A_143 : i32
      %get3A_145 = arith.index_cast %mul3A_144 : i32 to index
      %get3A_146 = tpu.vector_load %arg6[%get3A_145] {strides = array<i32>} : memref<16384xi32, #tpu.memory_space<vmem>>, vector<16xi32>,
      %eq3A_147 = arith.cmpi eq, %get3A_138, %get3A_146 : vector<16xi32>
      %select_n3A_148 = arith.select %eq3A_147, %broadcast_in_dim3A_13, %broadcast_in_dim3A_11 : vector<16xi1>, vector<16xi32>
      tpu.vector_store_idx %arg7[%get3A_138, %iota3A], %select_n3A_148 {add = true} : memref<128x128xi32, #tpu.memory_space<vmem>>[vector<16xi32>, vector<16xi32>], vector<16xi32>,
      %add3A_149 = arith.constant 16 : i32
      %add3A_150 = vector.broadcast %add3A_149 : i32 to vector<16xi32>
      %add3A_151 = arith.addi %iota3A, %add3A_150 : vector<16xi32>
      tpu.vector_store_idx %arg7[%get3A_146, %add3A_151], %broadcast_in_dim3A_11 {add = true} : memref<128x128xi32, #tpu.memory_space<vmem>>[vector<16xi32>, vector<16xi32>], vector<16xi32>,
      %mul3A_152 = arith.constant 8 : i32
      %mul3A_153 = arith.muli %scan3A_47, %mul3A_152 : i32
      %add3A_154 = arith.constant 5 : i32
      %add3A_155 = arith.addi %mul3A_153, %add3A_154 : i32
      %mul3A_156 = arith.constant 16 : i32
      %mul3A_157 = arith.muli %add3A_155, %mul3A_156 : i32
      %get3A_158 = arith.index_cast %mul3A_157 : i32 to index
      %get3A_159 = tpu.vector_load %arg5[%get3A_158] {strides = array<i32>} : memref<16384xi32, #tpu.memory_space<vmem>>, vector<16xi32>,
      %mul3A_160 = arith.constant 8 : i32
      %mul3A_161 = arith.muli %scan3A_47, %mul3A_160 : i32
      %add3A_162 = arith.constant 5 : i32
      %add3A_163 = arith.addi %mul3A_161, %add3A_162 : i32
      %mul3A_164 = arith.constant 16 : i32
      %mul3A_165 = arith.muli %add3A_163, %mul3A_164 : i32
      %get3A_166 = arith.index_cast %mul3A_165 : i32 to index
      %get3A_167 = tpu.vector_load %arg6[%get3A_166] {strides = array<i32>} : memref<16384xi32, #tpu.memory_space<vmem>>, vector<16xi32>,
      %eq3A_168 = arith.cmpi eq, %get3A_159, %get3A_167 : vector<16xi32>
      %select_n3A_169 = arith.select %eq3A_168, %broadcast_in_dim3A_13, %broadcast_in_dim3A_11 : vector<16xi1>, vector<16xi32>
      tpu.vector_store_idx %arg7[%get3A_159, %iota3A], %select_n3A_169 {add = true} : memref<128x128xi32, #tpu.memory_space<vmem>>[vector<16xi32>, vector<16xi32>], vector<16xi32>,
      %add3A_170 = arith.constant 16 : i32
      %add3A_171 = vector.broadcast %add3A_170 : i32 to vector<16xi32>
      %add3A_172 = arith.addi %iota3A, %add3A_171 : vector<16xi32>
      tpu.vector_store_idx %arg7[%get3A_167, %add3A_172], %broadcast_in_dim3A_11 {add = true} : memref<128x128xi32, #tpu.memory_space<vmem>>[vector<16xi32>, vector<16xi32>], vector<16xi32>,
      %mul3A_173 = arith.constant 8 : i32
      %mul3A_174 = arith.muli %scan3A_47, %mul3A_173 : i32
      %add3A_175 = arith.constant 6 : i32
      %add3A_176 = arith.addi %mul3A_174, %add3A_175 : i32
      %mul3A_177 = arith.constant 16 : i32
      %mul3A_178 = arith.muli %add3A_176, %mul3A_177 : i32
      %get3A_179 = arith.index_cast %mul3A_178 : i32 to index
      %get3A_180 = tpu.vector_load %arg5[%get3A_179] {strides = array<i32>} : memref<16384xi32, #tpu.memory_space<vmem>>, vector<16xi32>,
      %mul3A_181 = arith.constant 8 : i32
      %mul3A_182 = arith.muli %scan3A_47, %mul3A_181 : i32
      %add3A_183 = arith.constant 6 : i32
      %add3A_184 = arith.addi %mul3A_182, %add3A_183 : i32
      %mul3A_185 = arith.constant 16 : i32
      %mul3A_186 = arith.muli %add3A_184, %mul3A_185 : i32
      %get3A_187 = arith.index_cast %mul3A_186 : i32 to index
      %get3A_188 = tpu.vector_load %arg6[%get3A_187] {strides = array<i32>} : memref<16384xi32, #tpu.memory_space<vmem>>, vector<16xi32>,
      %eq3A_189 = arith.cmpi eq, %get3A_180, %get3A_188 : vector<16xi32>
      %select_n3A_190 = arith.select %eq3A_189, %broadcast_in_dim3A_13, %broadcast_in_dim3A_11 : vector<16xi1>, vector<16xi32>
      tpu.vector_store_idx %arg7[%get3A_180, %iota3A], %select_n3A_190 {add = true} : memref<128x128xi32, #tpu.memory_space<vmem>>[vector<16xi32>, vector<16xi32>], vector<16xi32>,
      %add3A_191 = arith.constant 16 : i32
      %add3A_192 = vector.broadcast %add3A_191 : i32 to vector<16xi32>
      %add3A_193 = arith.addi %iota3A, %add3A_192 : vector<16xi32>
      tpu.vector_store_idx %arg7[%get3A_188, %add3A_193], %broadcast_in_dim3A_11 {add = true} : memref<128x128xi32, #tpu.memory_space<vmem>>[vector<16xi32>, vector<16xi32>], vector<16xi32>,
      %mul3A_194 = arith.constant 8 : i32
      %mul3A_195 = arith.muli %scan3A_47, %mul3A_194 : i32
      %add3A_196 = arith.constant 7 : i32
      %add3A_197 = arith.addi %mul3A_195, %add3A_196 : i32
      %mul3A_198 = arith.constant 16 : i32
      %mul3A_199 = arith.muli %add3A_197, %mul3A_198 : i32
      %get3A_200 = arith.index_cast %mul3A_199 : i32 to index
      %get3A_201 = tpu.vector_load %arg5[%get3A_200] {strides = array<i32>} : memref<16384xi32, #tpu.memory_space<vmem>>, vector<16xi32>,
      %mul3A_202 = arith.constant 8 : i32
      %mul3A_203 = arith.muli %scan3A_47, %mul3A_202 : i32
      %add3A_204 = arith.constant 7 : i32
      %add3A_205 = arith.addi %mul3A_203, %add3A_204 : i32
      %mul3A_206 = arith.constant 16 : i32
      %mul3A_207 = arith.muli %add3A_205, %mul3A_206 : i32
      %get3A_208 = arith.index_cast %mul3A_207 : i32 to index
      %get3A_209 = tpu.vector_load %arg6[%get3A_208] {strides = array<i32>} : memref<16384xi32, #tpu.memory_space<vmem>>, vector<16xi32>,
      %eq3A_210 = arith.cmpi eq, %get3A_201, %get3A_209 : vector<16xi32>
      %select_n3A_211 = arith.select %eq3A_210, %broadcast_in_dim3A_13, %broadcast_in_dim3A_11 : vector<16xi1>, vector<16xi32>
      tpu.vector_store_idx %arg7[%get3A_201, %iota3A], %select_n3A_211 {add = true} : memref<128x128xi32, #tpu.memory_space<vmem>>[vector<16xi32>, vector<16xi32>], vector<16xi32>,
      %add3A_212 = arith.constant 16 : i32
      %add3A_213 = vector.broadcast %add3A_212 : i32 to vector<16xi32>
      %add3A_214 = arith.addi %iota3A, %add3A_213 : vector<16xi32>
      tpu.vector_store_idx %arg7[%get3A_209, %add3A_214], %broadcast_in_dim3A_11 {add = true} : memref<128x128xi32, #tpu.memory_space<vmem>>[vector<16xi32>, vector<16xi32>], vector<16xi32>,
      %scan3A_215 = arith.constant 0 : i32
      scf.yield %scan3A_215 : i32
    }
    %scan3A_20 = arith.constant 128 : i32
    %scan3A_21 = arith.constant 0 : i32
    %scan3A_22 = arith.constant 0 : i32
    %scan3A_23 = arith.constant 128 : i32
    %scan3A_24 = arith.addi %scan3A_22, %scan3A_23 : i32
    %scan3A_25 = arith.constant 1 : i32
    %scan3A_26 = scf.for %scan3A_47 = %scan3A_22 to %scan3A_24 step %scan3A_25 iter_args(%scan3A_48 = %scan3A_21) -> (i32)  : i32 {
      %get3A = arith.index_cast %scan3A_47 : i32 to index
      %get3A_49 = arith.constant 0 : index
      %get3A_50 = tpu.vector_load %arg7[%get3A, %get3A_49] {strides = array<i32>} : memref<128x128xi32, #tpu.memory_space<vmem>>, vector<16xi32>,
      %and3A = arith.constant 32767 : i32
      %and3A_51 = vector.broadcast %and3A : i32 to vector<16xi32>
      %and3A_52 = arith.andi %get3A_50, %and3A_51 : vector<16xi32>
      %swap3A = arith.index_cast %scan3A_47 : i32 to index
      %swap3A_53 = arith.constant 0 : index
      %swap3A_54 = tpu.vector_load %arg7[%swap3A, %swap3A_53] {strides = array<i32>} : memref<128x128xi32, #tpu.memory_space<vmem>>, vector<16xi32>,
      tpu.vector_store %arg7[%swap3A, %swap3A_53], %and3A_52 {strides = array<i32>} : memref<128x128xi32, #tpu.memory_space<vmem>>, vector<16xi32>,
      %shift_right_logical3A = arith.constant 15 : i32
      %shift_right_logical3A_55 = vector.broadcast %shift_right_logical3A : i32 to vector<16xi32>
      %shift_right_logical3A_56 = arith.shrui %get3A_50, %shift_right_logical3A_55 : vector<16xi32>
      %swap3A_57 = arith.index_cast %scan3A_47 : i32 to index
      %swap3A_58 = arith.constant 32 : index
      %swap3A_59 = tpu.vector_load %arg7[%swap3A_57, %swap3A_58] {strides = array<i32>} : memref<128x128xi32, #tpu.memory_space<vmem>>, vector<16xi32>,
      tpu.vector_store %arg7[%swap3A_57, %swap3A_58], %shift_right_logical3A_56 {strides = array<i32>} : memref<128x128xi32, #tpu.memory_space<vmem>>, vector<16xi32>,
      %scan3A_60 = arith.constant 0 : i32
      scf.yield %scan3A_60 : i32
    }
    %scan3A_27 = arith.constant 128 : i32
    %scan3A_28 = arith.constant 0 : i32
    %scan3A_29 = arith.constant 0 : i32
    %scan3A_30 = arith.constant 8 : i32
    %scan3A_31 = arith.addi %scan3A_29, %scan3A_30 : i32
    %scan3A_32 = arith.constant 1 : i32
    %scan3A_33 = scf.for %scan3A_47 = %scan3A_29 to %scan3A_31 step %scan3A_32 iter_args(%scan3A_48 = %scan3A_28) -> (i32)  : i32 {
      %mul3A_49 = arith.constant 16 : i32
      %mul3A_50 = arith.muli %scan3A_47, %mul3A_49 : i32
      %add3A_51 = vector.broadcast %mul3A_50 : i32 to vector<16xi32>
      %add3A_52 = arith.addi %iota3A, %add3A_51 : vector<16xi32>
      %mul3A_53 = arith.constant 16 : i32
      %mul3A_54 = arith.muli %scan3A_47, %mul3A_53 : i32
      %swap3A = arith.index_cast %mul3A_54 : i32 to index
      %swap3A_55 = tpu.vector_load %arg8[%swap3A] {strides = array<i32>} : memref<128xi32, #tpu.memory_space<vmem>>, vector<16xi32>,
      tpu.vector_store %arg8[%swap3A], %add3A_52 {strides = array<i32>} : memref<128xi32, #tpu.memory_space<vmem>>, vector<16xi32>,
      %scan3A_56 = arith.constant 0 : i32
      scf.yield %scan3A_56 : i32
    }
    %scan3A_34 = arith.constant 8 : i32
    %eq3A = arith.constant 0 : i32
    %eq3A_35 = arith.cmpi eq, %arg1, %eq3A : i32
    %convert_element_type3A = arith.extui %eq3A_35 : i1 to i32
    %cond3A = arith.constant 0 : i32
    %cond3A_36 = arith.cmpi ne, %convert_element_type3A, %cond3A : i32
    scf.if %cond3A_36 {
      "tpu.region"() ({
        %run_scoped3A = tpu.sem_alloc : memref<!tpu.dma_semaphore, #tpu.memory_space<semaphore_mem>>
        tpu.enqueue_dma source(%arg7 : memref<128x128xi32, #tpu.memory_space<vmem>>) target(%arg9 : memref<128x128xi32, #tpu.memory_space<vmem_shared>>) target_semaphore(%run_scoped3A : memref<!tpu.dma_semaphore, #tpu.memory_space<semaphore_mem>>)
        tpu.wait_dma2 semaphore(%run_scoped3A : memref<!tpu.dma_semaphore, #tpu.memory_space<semaphore_mem>>) src(%arg7 : memref<128x128xi32, #tpu.memory_space<vmem>>) dst(%arg9 : memref<128x128xi32, #tpu.memory_space<vmem_shared>>)
        tpu.yield
      }) : () -> ()
    } else {
    }
    %barrier3A = arith.constant 0 : index
    tpu.barrier barrier_id(%barrier3A)
    %ne3A = arith.constant 0 : i32
    %ne3A_37 = arith.cmpi ne, %arg1, %ne3A : i32
    %convert_element_type3A_38 = arith.extui %ne3A_37 : i1 to i32
    %cond3A_39 = arith.constant 0 : i32
    %cond3A_40 = arith.cmpi ne, %convert_element_type3A_38, %cond3A_39 : i32
    scf.if %cond3A_40 {
      "tpu.region"() ({
        %run_scoped3A = tpu.sem_alloc : memref<!tpu.dma_semaphore, #tpu.memory_space<semaphore_mem>>
        %dma_start3A = arith.constant 0 : i32
        %dma_start3A_47 = arith.constant 0 : i32
        %dma_start3A_48 = tpu.memref_slice %arg9[%dma_start3A, %dma_start3A_47] : memref<128x128xi32, #tpu.memory_space<vmem_shared>> -> memref<128x128xi32, #tpu.memory_space<vmem_shared>>
        tpu.enqueue_indirect_dma source(%arg7 : memref<128x128xi32, #tpu.memory_space<vmem>>) target(%dma_start3A_48 : memref<128x128xi32, #tpu.memory_space<vmem_shared>>) offsets(%arg8 : memref<128xi32, #tpu.memory_space<vmem>>) semaphore(%run_scoped3A : memref<!tpu.dma_semaphore, #tpu.memory_space<semaphore_mem>>) {add = true}
        %dma_wait3A = arith.constant 0 : i32
        %dma_wait3A_49 = arith.constant 0 : i32
        %dma_wait3A_50 = tpu.memref_slice %arg9[%dma_wait3A, %dma_wait3A_49] : memref<128x128xi32, #tpu.memory_space<vmem_shared>> -> memref<128x128xi32, #tpu.memory_space<vmem_shared>>
        tpu.wait_indirect_dma semaphore(%run_scoped3A : memref<!tpu.dma_semaphore, #tpu.memory_space<semaphore_mem>>) src(%arg7 : memref<128x128xi32, #tpu.memory_space<vmem>>) dst(%dma_wait3A_50 : memref<128x128xi32, #tpu.memory_space<vmem_shared>>)
        tpu.yield
      }) : () -> ()
    } else {
    }
    %barrier3A_41 = arith.constant 0 : index
    tpu.barrier barrier_id(%barrier3A_41)
    %eq3A_42 = arith.constant 0 : i32
    %eq3A_43 = arith.cmpi eq, %arg1, %eq3A_42 : i32
    %convert_element_type3A_44 = arith.extui %eq3A_43 : i1 to i32
    %cond3A_45 = arith.constant 0 : i32
    %cond3A_46 = arith.cmpi ne, %convert_element_type3A_44, %cond3A_45 : i32
    scf.if %cond3A_46 {
      "tpu.region"() ({
        %run_scoped3A = tpu.sem_alloc : memref<!tpu.dma_semaphore, #tpu.memory_space<semaphore_mem>>
        %dma_start3A = arith.constant 0 : i32
        %dma_start3A_47 = arith.constant 0 : i32
        %dma_start3A_48 = tpu.memref_slice %arg4[%arg0, %dma_start3A, %dma_start3A_47] : memref<2x128x128xi32, #tpu.memory_space<hbm>> -> memref<1x128x128xi32, #tpu.memory_space<hbm>>
        %dma_start3A_49 = tpu.memref_squeeze %dma_start3A_48 : memref<1x128x128xi32, #tpu.memory_space<hbm>> -> memref<128x128xi32, #tpu.memory_space<hbm>>
        tpu.enqueue_dma source(%arg9 : memref<128x128xi32, #tpu.memory_space<vmem_shared>>) target(%dma_start3A_49 : memref<128x128xi32, #tpu.memory_space<hbm>>) target_semaphore(%run_scoped3A : memref<!tpu.dma_semaphore, #tpu.memory_space<semaphore_mem>>)
        %dma_wait3A = arith.constant 0 : i32
        %dma_wait3A_50 = arith.constant 0 : i32
        %dma_wait3A_51 = tpu.memref_slice %arg4[%arg0, %dma_wait3A, %dma_wait3A_50] : memref<2x128x128xi32, #tpu.memory_space<hbm>> -> memref<1x128x128xi32, #tpu.memory_space<hbm>>
        %dma_wait3A_52 = tpu.memref_squeeze %dma_wait3A_51 : memref<1x128x128xi32, #tpu.memory_space<hbm>> -> memref<128x128xi32, #tpu.memory_space<hbm>>
        tpu.wait_dma2 semaphore(%run_scoped3A : memref<!tpu.dma_semaphore, #tpu.memory_space<semaphore_mem>>) src(%arg9 : memref<128x128xi32, #tpu.memory_space<vmem_shared>>) dst(%dma_wait3A_52 : memref<128x128xi32, #tpu.memory_space<hbm>>)
        tpu.yield
      }) : () -> ()
    } else {
    }
    return
  }
}

module attributes {stable_mosaic.version = 14 : i64} {
  func.func @_argmax_body(%arg0: i32, %arg1: memref<100x32768xf32, #tpu.memory_space<vmem>>, %arg2: memref<1x32768xi32, #tpu.memory_space<vmem>>) attributes {dimension_semantics = [#tpu.dimension_semantics<arbitrary>], iteration_bounds = array<i64: 16>, scalar_prefetch = 0 : i64, scratch_operands = 0 : i64, tpu.core_type = #tpu.core_type<tc>, window_params = [{transform_indices = @transform_0, window_bounds = array<i64: 100, 32768>}, {transform_indices = @transform_1, window_bounds = array<i64: 1, 32768>}]} {
    %get3A = arith.constant 0 : index
    %get3A_0 = arith.constant 0 : index
    %get3A_1 = vector.load %arg1[%get3A, %get3A_0] : memref<100x32768xf32, #tpu.memory_space<vmem>>, vector<100x32768xf32>
    %reduce_max3A = arith.constant dense<0xFF800000> : vector<32768xf32>
    %reduce_max3A_2 = vector.multi_reduction <maximumf>, %get3A_1, %reduce_max3A [0] : vector<100x32768xf32> to vector<32768xf32>
    %broadcast_in_dim3A = vector.shape_cast %reduce_max3A_2 : vector<32768xf32> to vector<1x32768xf32>
    %iota3A = tpu.iota {dimensions = array<i32: 0>} : vector<100x32768xi32>
    %convert_element_type3A = arith.sitofp %iota3A : vector<100x32768xi32> to vector<100x32768xf32>
    %eq3A = vector.broadcast %broadcast_in_dim3A : vector<1x32768xf32> to vector<100x32768xf32>
    %eq3A_3 = arith.cmpf oeq, %get3A_1, %eq3A : vector<100x32768xf32>
    %jit3A = arith.constant 1.000000e+02 : f32
    %broadcast_in_dim3A_4 = vector.broadcast %jit3A : f32 to vector<100x32768xf32>
    %select_n3A = arith.select %eq3A_3, %convert_element_type3A, %broadcast_in_dim3A_4 : vector<100x32768xi1>, vector<100x32768xf32>
    %reduce_min3A = arith.constant dense<0x7F800000> : vector<32768xf32>
    %reduce_min3A_5 = vector.multi_reduction <minimumf>, %select_n3A, %reduce_min3A [0] : vector<100x32768xf32> to vector<32768xf32>
    %broadcast_in_dim3A_6 = vector.shape_cast %reduce_min3A_5 : vector<32768xf32> to vector<1x32768xf32>
    %convert_element_type3A_7 = arith.fptosi %broadcast_in_dim3A_6 : vector<1x32768xf32> to vector<1x32768xi32>
    %swap3A = arith.constant 0 : index
    %swap3A_8 = arith.constant 0 : index
    %swap3A_9 = vector.load %arg2[%swap3A, %swap3A_8] : memref<1x32768xi32, #tpu.memory_space<vmem>>, vector<1x32768xi32>
    tpu.vector_store %arg2[%swap3A, %swap3A_8], %convert_element_type3A_7 {strides = array<i32>} : memref<1x32768xi32, #tpu.memory_space<vmem>>, vector<1x32768xi32>,
    return
  }
  func.func @transform_0(%arg0: i32) -> (i32, i32) {
    %c0_i32 = arith.constant 0 : i32
    %c0_i32_0 = arith.constant 0 : i32
    return %c0_i32, %arg0 : i32, i32
  }
  func.func @transform_1(%arg0: i32) -> (i32, i32) {
    %c0_i32 = arith.constant 0 : i32
    %c0_i32_0 = arith.constant 0 : i32
    return %c0_i32, %arg0 : i32, i32
  }
}

module attributes {stable_mosaic.version = 14 : i64} {
  func.func @_finalize_body(%arg0: memref<2x128x128xi32, #tpu.memory_space<vmem>>, %arg1: memref<1x1xf32, #tpu.memory_space<vmem>>) attributes {dimension_semantics = [], scalar_prefetch = 0 : i64, scratch_operands = 0 : i64, tpu.core_type = #tpu.core_type<tc>} {
    %get3A = arith.constant 0 : index
    %get3A_0 = arith.constant 0 : index
    %get3A_1 = arith.constant 0 : index
    %get3A_2 = vector.load %arg0[%get3A, %get3A_0, %get3A_1] : memref<2x128x128xi32, #tpu.memory_space<vmem>>, vector<1x128x128xi32>
    %get3A_3 = vector.shape_cast %get3A_2 : vector<1x128x128xi32> to vector<128x128xi32>
    %get3A_4 = arith.constant 1 : index
    %get3A_5 = arith.constant 0 : index
    %get3A_6 = arith.constant 0 : index
    %get3A_7 = vector.load %arg0[%get3A_4, %get3A_5, %get3A_6] : memref<2x128x128xi32, #tpu.memory_space<vmem>>, vector<1x128x128xi32>
    %get3A_8 = vector.shape_cast %get3A_7 : vector<1x128x128xi32> to vector<128x128xi32>
    %add3A = arith.addi %get3A_3, %get3A_8 : vector<128x128xi32>
    %convert_element_type3A = arith.sitofp %add3A : vector<128x128xi32> to vector<128x128xf32>
    %slice3A = vector.extract_strided_slice %convert_element_type3A {offsets = [0, 0], sizes = [128, 16], strides = [1, 1]} : vector<128x128xf32> to vector<128x16xf32>
    %reduce_sum3A = arith.constant dense<0.000000e+00> : vector<128xf32>
    %reduce_sum3A_9 = vector.multi_reduction <add>, %slice3A, %reduce_sum3A [1] : vector<128x16xf32> to vector<128xf32>
    %broadcast_in_dim3A = vector.shape_cast %reduce_sum3A_9 : vector<128xf32> to vector<128x1xf32>
    %slice3A_10 = vector.extract_strided_slice %convert_element_type3A {offsets = [0, 16], sizes = [128, 16], strides = [1, 1]} : vector<128x128xf32> to vector<128x16xf32>
    %reduce_sum3A_11 = arith.constant dense<0.000000e+00> : vector<128xf32>
    %reduce_sum3A_12 = vector.multi_reduction <add>, %slice3A_10, %reduce_sum3A_11 [1] : vector<128x16xf32> to vector<128xf32>
    %broadcast_in_dim3A_13 = vector.shape_cast %reduce_sum3A_12 : vector<128xf32> to vector<128x1xf32>
    %slice3A_14 = vector.extract_strided_slice %convert_element_type3A {offsets = [0, 32], sizes = [128, 16], strides = [1, 1]} : vector<128x128xf32> to vector<128x16xf32>
    %reduce_sum3A_15 = arith.constant dense<0.000000e+00> : vector<128xf32>
    %reduce_sum3A_16 = vector.multi_reduction <add>, %slice3A_14, %reduce_sum3A_15 [1] : vector<128x16xf32> to vector<128xf32>
    %broadcast_in_dim3A_17 = vector.shape_cast %reduce_sum3A_16 : vector<128xf32> to vector<128x1xf32>
    %sub3A = arith.constant 5.242880e+05 : f32
    %sub3A_18 = vector.broadcast %sub3A : f32 to vector<128x1xf32>
    %sub3A_19 = arith.subf %sub3A_18, %broadcast_in_dim3A_13 : vector<128x1xf32>
    %sub3A_20 = arith.subf %sub3A_19, %broadcast_in_dim3A : vector<128x1xf32>
    %add3A_21 = arith.addf %sub3A_20, %broadcast_in_dim3A_17 : vector<128x1xf32>
    %sub3A_22 = arith.subf %broadcast_in_dim3A_13, %broadcast_in_dim3A_17 : vector<128x1xf32>
    %add3A_23 = arith.addf %add3A_21, %sub3A_22 : vector<128x1xf32>
    %add3A_24 = arith.constant 1.000000e-07 : f32
    %add3A_25 = vector.broadcast %add3A_24 : f32 to vector<128x1xf32>
    %add3A_26 = arith.addf %add3A_23, %add3A_25 : vector<128x1xf32>
    %div3A = arith.divf %add3A_21, %add3A_26 : vector<128x1xf32>
    %iota3A = tpu.iota {dimensions = array<i32: 0>} : vector<128x1xi32>
    %lt3A = arith.constant 100 : i32
    %lt3A_27 = vector.broadcast %lt3A : i32 to vector<128x1xi32>
    %lt3A_28 = arith.cmpi slt, %iota3A, %lt3A_27 : vector<128x1xi32>
    %jit3A = arith.constant 0.000000e+00 : f32
    %broadcast_in_dim3A_29 = vector.broadcast %jit3A : f32 to vector<128x1xf32>
    %select_n3A = arith.select %lt3A_28, %div3A, %broadcast_in_dim3A_29 : vector<128x1xi1>, vector<128x1xf32>
    %reduce_sum3A_30 = vector.shape_cast %select_n3A : vector<128x1xf32> to vector<1x128x1xf32>
    %reduce_sum3A_31 = arith.constant dense<0.000000e+00> : vector<1xf32>
    %reduce_sum3A_32 = vector.multi_reduction <add>, %reduce_sum3A_30, %reduce_sum3A_31 [1, 2] : vector<1x128x1xf32> to vector<1xf32>
    %reduce_sum3A_33 = vector.shape_cast %reduce_sum3A_32 : vector<1xf32> to vector<1x1x1xf32>
    %reduce_sum3A_34 = vector.extract %reduce_sum3A_33[0, 0, 0] : f32 from vector<1x1x1xf32>
    %div3A_35 = arith.constant 1.000000e+02 : f32
    %div3A_36 = arith.divf %reduce_sum3A_34, %div3A_35 : f32
    %broadcast_in_dim3A_37 = vector.broadcast %div3A_36 : f32 to vector<1x1xf32>
    %swap3A = arith.constant 0 : index
    %swap3A_38 = arith.constant 0 : index
    %swap3A_39 = vector.load %arg1[%swap3A, %swap3A_38] : memref<1x1xf32, #tpu.memory_space<vmem>>, vector<1x1xf32>
    tpu.vector_store %arg1[%swap3A, %swap3A_38], %broadcast_in_dim3A_37 {strides = array<i32>} : memref<1x1xf32, #tpu.memory_space<vmem>>, vector<1x1xf32>,
    return
  }
}

</mosaic_0001>

<sc_bundles>
// kernel: kernel.5.cloned.1.call-start
scs
__scs_entry_jumppad:
0x0: {  	(pc) =	sbr.rel $0x88, $3  }
0x1: {  	(tag) =	ssettag $0x0;
	lr =	simm.s32 $0x1  }
0x2: {  	[smem:$0x3F9F] =	sst lr;
	_ =	strace $0xD0000000  }
0x3: {  	_ = 	snop  }
0x4: {  	_ = 	snop  }
0x5: {  	_ = 	snop  }
0x6: {  	_ = 	snop  }
0x7: {  	_ = 	snop  }
__scs_overlays_trampoline_lowered:
0x8: {  	[smem:$0x3FAE] =	sst s0  }
0x9: {  	[smem:$0x3FAF] =	sst s1  }
0xa: {  	[smem:$0x3FB0] =	sst s2  }
0xb: {  	[smem:$0x3FB1] =	sst s3  }
0xc: {  	[smem:$0x3FB2] =	sst s4  }
0xd: {  	[smem:$0x3FB3] =	sst s5  }
0xe: {  	[smem:$0x3FB4] =	sst s6  }
0xf: {  	[smem:$0x3FB5] =	sst s7  }
0x10: {  	[smem:$0x3FB6] =	sst s8  }
0x11: {  	[smem:$0x3FB7] =	sst s9;
	s0 =	simm.s32 @!p0 $0x0  }
0x12: {  	s1 =	sld [smem:$0x3F9D];
	s0 =	simm.s32 @p0 $0x1  }
0x13: {  	[smem:$0x3FB8] =	sst s0;
	s0 =	simm.s32 @!p1 $0x0  }
0x14: {  	s2 =	sld [smem:$0x3F9C];
	s0 =	simm.s32 @p1 $0x1  }
0x15: {  	[smem:$0x3FB9] =	sst s0;
	s0 =	simm.s32 @!p2 $0x0  }
0x16: {  	s3 =	sld [smem:$0x3FDB];
	s0 =	simm.s32 @p2 $0x1  }
0x17: {  	s4 =	simm.s32 $0x1BF5;
	[smem:$0x3FBB] =	sst s0  }
0x18: {  	s0 =	sld [smem:$0x3F9E];
	_ =	swait.ge [sflag:s4], $0x0  }
0x19: {  	s7 =	sld [smem:$0x3F9F]  }
0x1a: {  	s8 =	sadd.s32 $0xFFFFE003, lr  }
0x1b: {  	s9 =	sadd.s32 $0xFFFFFEF7, lr;
	s5 =	simm.s32 $0xFFFFFFFF;
	p2 =	slt.u32 s8, $0xFFFFF086  }
0x1c: {  	p1 =	slt.u32 s9, $0xF7A;
	s5 =	simm.s32 @!p2 $0x0  }
0x1d: {  	s5 =	simm.s32 @p1 $0x1;
	p0 =	seq.s32 s7, s2  }
0x1e: {  	s7 =	smul.u32 @!p0 $0xF7A, s2;
	p2 =	seq.s32 @!p0 s5, $0x0  }
0x1f: {  	s9 =	smul.u32 $0xF7A, s1;
	s8 =	simm.s32 @!p0 $0x1BF5;
	p2 =	por !p2, p0  }
0x20: {  	[sflag:s8] =	ssyncset.s32 @!p0 $0xFFFFF086;
	s6 =	sadd.s32 @!p0 s3, s7;
	s7 =	simm.s32 @!p0 $0x108  }
0x21: {  	s3 =	sadd.s32 s3, s9;
	s6 =	sadd.s32 @!p0 $0x88, s6;
	s7 =	simm.s32 @p2 $0x1082  }
0x22: {  	[simem:s7], [sflag:s8] =	dma.local @!p0 [hbm:s6], $0xF7A  }
0x23: {  	s9 =	sor.u32 $0xD0000000, s2;
	s6 =	simm.s32 $0x108;
	_ =	swait.ge @!p0 [sflag:s8], $0x0  }
0x24: {  	s3 =	sadd.s32 $0x88, s3;
	s6 =	simm.s32 @!p1 $0x1082;
	[sflag:s4] =	ssyncset.s32 $0xFFFFF086  }
0x25: {  	[simem:s6], [sflag:s4] =	dma.local [hbm:s3], $0xF7A  }
0x26: {  	[smem:$0x3F9F] =	sst s1;
	(tag) =	ssettag s2;
	_ =	strace s9  }
0x27: {  	s1 =	sld [smem:$0x3FAF]  }
0x28: {  	s2 =	sld [smem:$0x3FB0]  }
0x29: {  	s4 =	sld [smem:$0x3FB2]  }
0x2a: {  	p0 =	seq.s32 s5, $0x0;
	s5 =	sld [smem:$0x3FB3]  }
0x2b: {  	s6 =	sld [smem:$0x3FB4]  }
0x2c: {  	s7 =	sld [smem:$0x3FB5]  }
0x2d: {  	s3 =	simm.s32 $0x108;
	s8 =	sld [smem:$0x3FB6]  }
0x2e: {  	s3 =	simm.s32 @!p0 $0x1082;
	s9 =	sld [smem:$0x3FB7]  }
0x2f: {  	lr =	sadd.s32 s0, s3;
	s0 =	sld [smem:$0x3FAE]  }
0x30: {  	s3 =	sld [smem:$0x3FB1]  }
0x31: {  	[smem:$0x3FBA] =	sst s10  }
0x32: {  	s10 =	sld [smem:$0x3FB8];
	_ =	sdelay $0x3  }
0x33: {  	p0 =	seq.s32 s10, $0x1;
	s10 =	sld [smem:$0x3FBA];
	_ =	sdelay $0x3  }
0x34: {  	[smem:$0x3FBA] =	sst s10  }
0x35: {  	s10 =	sld [smem:$0x3FB9];
	_ =	sdelay $0x3  }
0x36: {  	p1 =	seq.s32 s10, $0x1;
	s10 =	sld [smem:$0x3FBA];
	_ =	sdelay $0x3  }
0x37: {  	[smem:$0x3FBA] =	sst s10  }
0x38: {  	s10 =	sld [smem:$0x3FBB]  }
0x39: {  	_ = 	snop;
	(pc) =	sbr.ind lr, $3  }
0x3a: {  	_ = 	snop  }
0x3b: {  	_ = 	snop  }
0x3c: {  	p2 =	seq.s32 s10, $0x1;
	s10 =	sld [smem:$0x3FBA]  }
0x3d: {  	_ =	shalt  }
0x3e: {  	_ =	shalt  }
0x3f: {  	_ =	shalt  }
0x40: {  	_ =	shalt  }
0x41: {  	_ =	shalt  }
0x42: {  	_ =	shalt  }
0x43: {  	_ =	shalt  }
0x44: {  	_ =	shalt  }
0x45: {  	_ =	shalt  }
0x46: {  	_ =	shalt  }
0x47: {  	_ =	shalt  }
0x48: {  	_ =	shalt  }
0x49: {  	_ =	shalt  }
0x4a: {  	_ =	shalt  }
0x4b: {  	_ =	shalt  }
0x4c: {  	_ =	shalt  }
0x4d: {  	_ =	shalt  }
0x4e: {  	_ =	shalt  }
0x4f: {  	_ =	shalt  }
0x50: {  	_ =	shalt  }
0x51: {  	_ =	shalt  }
0x52: {  	_ =	shalt  }
0x53: {  	_ =	shalt  }
0x54: {  	_ =	shalt  }
0x55: {  	_ =	shalt  }
0x56: {  	_ =	shalt  }
0x57: {  	_ =	shalt  }
0x58: {  	_ =	shalt  }
0x59: {  	_ =	shalt  }
0x5a: {  	_ =	shalt  }
0x5b: {  	_ =	shalt  }
0x5c: {  	_ =	shalt  }
0x5d: {  	_ =	shalt  }
0x5e: {  	_ =	shalt  }
0x5f: {  	_ =	shalt  }
0x60: {  	_ =	shalt  }
0x61: {  	_ =	shalt  }
0x62: {  	_ =	shalt  }
0x63: {  	_ =	shalt  }
0x64: {  	_ =	shalt  }
0x65: {  	_ =	shalt  }
0x66: {  	_ =	shalt  }
0x67: {  	_ =	shalt  }
0x68: {  	_ =	shalt  }
0x69: {  	_ =	shalt  }
0x6a: {  	_ =	shalt  }
0x6b: {  	_ =	shalt  }
0x6c: {  	_ =	shalt  }
0x6d: {  	_ =	shalt  }
0x6e: {  	_ =	shalt  }
0x6f: {  	_ =	shalt  }
0x70: {  	_ =	shalt  }
0x71: {  	_ =	shalt  }
0x72: {  	_ =	shalt  }
0x73: {  	_ =	shalt  }
0x74: {  	_ =	shalt  }
0x75: {  	_ =	shalt  }
0x76: {  	_ =	shalt  }
0x77: {  	_ =	shalt  }
0x78: {  	_ =	shalt  }
0x79: {  	_ =	shalt  }
0x7a: {  	_ =	shalt  }
0x7b: {  	_ =	shalt  }
0x7c: {  	_ =	shalt  }
0x7d: {  	_ =	shalt  }
0x7e: {  	_ =	shalt  }
0x7f: {  	_ =	shalt  }
0x80: {  	_ =	shalt  }
0x81: {  	_ =	shalt  }
0x82: {  	_ =	shalt  }
0x83: {  	_ =	shalt  }
0x84: {  	_ =	shalt  }
0x85: {  	_ =	shalt  }
0x86: {  	_ =	shalt  }
0x87: {  	_ =	shalt  }
.Lfunc_end0:
.L_simem_size_0:
called_computation_lowered:
.L_overlay_start_0:
0x88: {  	s2 =	sld [smem:$0x3FD9]  }
0x89: {  	s3 =	sld [smem:$0x3FFE];
	_ =	sdelay $0x1  }
0x8a: {  	s1 =	srdreg.scid  }
0x8b: {  	s0 =	sand.u32 $0x1, s1  }
0x8c: {  	s17 =	sshll.u32 s0, $0xA;
	s2 =	sadd.s32 s3, s2  }
0x8d: {  	s2 =	sadd.s32 s2, s17  }
0x8e: {  	[smem:$0x3FC6] =	sst s2  }
0x8f: {  	_ = 	snop  }
0x90: {  	s2 =	sld [smem:$0x3FC8];
	(tm) =	ssettm $0x1  }
0x91: {  	s18 =	sld [smem:$0x3FFB];
	_ =	sdelay $0x3  }
0x92: {  	_ =	strace s18  }
0x93: {  	s3 =	sld [smem:$0x3FFC];
	_ =	sdelay $0x3  }
0x94: {  	_ =	strace s3  }
0x95: {  	s3 =	sld [smem:$0x3FFD];
	_ =	sdelay $0x3  }
0x96: {  	_ =	strace s3  }
0x97: {  	_ =	strace $0x8FFFFFFF  }
0x98: {  	s19 =	sld [smem:$0x3FDB];
	_ =	sdelay $0x1  }
0x99: {  	s4 =	simm.s32 $_scs_section_size  }
0x9a: {  	s5 =	simm.s32 $_size__tile_overlayer_lowered;
	s6 =	simm.s32 $_tile_overlayer_lowered  }
0x9b: {  	s22 =	simm.s32 $0x1BFF;
	s21 =	sshll.u32 s6, $0x1;
	s3 =	sadd.s32 s4, s19  }
0x9c: {  	s7 =	simm.s32 $0x0;
	s20 =	sshll.u32 s5, $0x1;
	s5 =	sadd.s32 s21, s3  }
0x9d: {  	[timem:s7], [sflag:s22] =	dma.local [hbm:s5], s20  }
0x9e: {  	_ =	swait.ge [sflag:s22], s20  }
0x9f: {  	s4 =	ssub.s32 $0x0, s20;
	[sflag:s22] =	ssyncset.done $0x0  }
0xa0: {  	[sflag:s22] =	ssyncadd.s32 s4;
	_ =	sdelay $0x1  }
0xa1: {  	s23 =	simm.s32 $0x1B8B  }
0xa2: {  	_ =	swait.ge [sflag:s23], $0x1  }
0xa3: {  	[sflag:s23] =	ssyncset.done $0x0  }
0xa4: {  	s25 =	simm.s32 $0x1B8E;
	s24 =	sld [smem:$0x3FFE];
	[sflag:s23] =	ssyncadd.s32 $0xFFFFFFFF  }
0xa5: {  	s26 =	simm.s32 $execute0_lowered;
	[smem:$0x3FD2] =	sst s25  }
0xa6: {  	s5 =	sshll.u32 s26, $0x1;
	_ =	strace $0x80000046;
	[dreg:$0x1] =	wrdreg $0xFFFFFFFF  }
0xa7: {  	s28 =	simm.s32 $_size_execute0_lowered;
	s3 =	sadd.s32 s3, s5;
	[dreg:$0x0] =	wrdreg $0x0  }
0xa8: {  	s5 =	sshll.u32 s28, $0x1;
	[dreg:$0x2] =	wrdreg s3  }
0xa9: {  	[dreg:$0x3] =	wrdreg s5  }
0xaa: {  	[dreg:$0x4] =	wrdreg $0xC0  }
0xab: {  	_ =	task [dreg:s7], $0x5FFFF  }
0xac: {  	[dreg:$0x1] =	wrdreg $0xFFFFFFFF  }
0xad: {  	[dreg:$0x0] =	wrdreg $0x60  }
0xae: {  	[dreg:$0x2] =	wrdreg s24  }
0xaf: {  	[dreg:$0x3] =	wrdreg s2  }
0xb0: {  	[dreg:$0x4] =	wrdreg $0xC0800  }
0xb1: {  	[dreg:$0x5] =	wrdreg $0x9  }
0xb2: {  	_ =	task.clear_ibuf [dreg:s7], $0x6FFFF;
	_ =	strace $0x90000046  }
0xb3: {  	s29 =	simm.s32 $0x9;
	_ =	strace $0x80000048  }
0xb4: {  	_ =	swait.ge [sflag:s29], $0x1  }
0xb5: {  	[sflag:s29] =	ssyncadd.s32 $0xFFFFFFFF  }
0xb6: {  	_ =	strace $0x90000048  }
0xb7: {  	_ =	sfence  }
0xb8: {  	s30 =	sld [smem:$0x0];
	_ =	sdelay $0x2  }
0xb9: {  	s31 =	sshll.u32 s1, $0xD;
	s1 =	sshrl.u32 s1, $0x2  }
0xba: {  	s3 =	sand.u32 $0x4000, s31;
	s1 =	sadd.s32 s1, s30  }
0xbb: {  	s0 =	sor.u32 s3, s0;
	s1 =	sshll.u32 s1, $0x11  }
0xbc: {  	s0 =	sor.u32 s1, s0  }
0xbd: {  	s0 =	sadd.s32 $0x8F2B, s0  }
0xbe: {  	[sflag:s0] =	ssyncadd.remote.s32 $0x1  }
0xbf: {  	_ =	sfence.sel $0xFFFF  }
0xc0: {  	[dreg:$0x0] =	wrdreg $0xFFFFFFFF;
	(pc) =	sbr.abs _section_cstart, $3  }
0xc1: {  	[dreg:$0x1] =	wrdreg $0xFFFFFFFF  }
0xc2: {  	_ =	task.clear_ibuf [dreg:s7], $0x2FFFF;
	_ =	strace $0x9FFFFFFF  }
0xc3: {  	(tm) =	ssettm $0x7FFFFFFF  }
tec
execute0_lowered:
.L_overlay_start_1:
0x0: {  	(tag) =	ssettag $0x1  }
0x1: {  	s4 =	rddreg [dreg:$0x0]  }
0x2: {  	s5 =	rddreg [dreg:$0x1]  }
0x3: {  	s1 =	rddreg [dreg:$0x2]  }
0x4: {  	s0 =	rddreg [dreg:$0x3];
	s6 =	srdreg.scid  }
0x5: {  	s3 =	simm.s32 $0x0;
	s2 =	stileid.u32;
	s12 =	simm.s32 $0x0  }
0x6: {  	s6 =	sand.u32 $0x1, s6;
	[smem:$0x7FF] =	sst s3;
	s8 =	sshll.u32 s2, $0xB  }
0x7: {  	p0 =	seq.s32 s2, $0x0;
	s7 =	sshll.u32 s6, $0xF;
	_ =	strace $0x80000047  }
0x8: {  	s31 =	ssub.s32 $0x2, s6;
	s6 =	sshll.u32 s6, $0xB;
	s11 =	sshrl.u32 @p0 s1, $0x3  }
0x9: {  	v0 =	vlaneseq.u32;
	s7 =	sor.u32 s8, s7;
	s10 =	sshrl.u32 s31, $0x1;
	s6 =	sadd.s32 s6, s4  }
0xa: {  	v1 =	vimm.s32 $0x0;
	v2 =	vimm.s32 $0x1;
	v3 =	vor.u32 $0x10, v0;
	s9 =	sadd.s32 s7, s4;
	s8 =	ssub.s32 s31, s10;
	s5 =	sadd.s32 s5, s7  }
0xb: {  	v4 =	vor.u32 $0x20, v0;
	v5 =	vor.u32 $0x30, v0;
	v6 =	vor.u32 $0x40, v0;
	s6 =	sadd.s32 $0x10800, s6;
	s10 =	simm.s32 $0x8000;
	s4 =	sadd.s32 $0x800, s9  }
0xc: {  	v7 =	vor.u32 $0x50, v0;
	v8 =	vor.u32 $0x60, v0;
	v9 =	vor.u32 $0x70, v0;
	s7 =	smax.u32 s8, $0x1;
	s8 =	simm.s32 $0x1;
	s9 =	simm.s32 $0x4000  }
.LBB2_1:
0xd: {  	[tilespmem:s3], [sflag:$0x1] =	stream.linear.gather [hbm4b:s4+s3], $0x4000, $0x38;
	[tilespmem:$0xC480] =	vst v63  }
0xe: {  	_ =	swait.ge [sflag:s8], $0x4000  }
0xf: {  	[sflag:s8] =	ssyncset.done $0x0  }
0x10: {  	[sflag:s8] =	ssyncadd.s32 $0xFFFFC000  }
0x11: {  	[tilespmem:s9], [sflag:$0x1] =	stream.linear.gather [hbm4b:s5+s3], $0x4000, $0x38;
	[tilespmem:$0xC480] =	vst v63  }
0x12: {  	_ =	swait.ge [sflag:s8], $0x4000  }
0x13: {  	[sflag:s8] =	ssyncset.done $0x0  }
0x14: {  	s13 =	simm.s32 $0x200;
	s14 =	simm.s32 $0x0;
	[sflag:s8] =	ssyncadd.s32 $0xFFFFC000  }
.LBB2_2:
0x15: {  	p1 =	sne.s32 s13, $0xFE00;
	[tilespmem:s14+$0x8000] =	vst v1;
	s15 =	smov.u32 s13;
	s13 =	sadd.s32 $0x200, s13  }
.Ltmp0:
0x16: {  	[tilespmem:s14+$0x8010] =	vst v1;
	(pc) =	sbr.rel @p1 .LBB2_2-.Ltmp0, $2  }
0x17: {  	_ =	sdelay $0x2  }
0x18: {  	s14 =	sshra.s32 s15, $0x2  }
0x19: {  	[tilespmem:s14+$0x8000] =	vst v1  }
0x1a: {  	s13 =	simm.s32 $0x0;
	[tilespmem:s14+$0x8010] =	vst v1  }
.LBB2_4:
0x1b: {  	s14 =	sshra.s32 s13, $0x2  }
0x1c: {  	v10 =	vld [tilespmem:s14+$0x0]  }
0x1d: {  	v11 =	vld [tilespmem:s14+$0x4000];
	_ =	sdelay $0x3  }
0x1e: {  	v12 =	vshll.u32 v10, $0x7  }
0x1f: {  	v13 =	vshll.u32 v11, $0x7;
	v12 =	vor.u32 v0, v12  }
0x20: {  	v13 =	vor.u32 v3, v13;
	_ =	sdelay $0x1  }
0x21: {  	vm0 =	veq.s32 v10, v11  }
0x22: {  	v10 =	vsel vm0, $0x8001, v2  }
0x23: {  	[tilespmem:v12+s10+$0x0] =	vst.idx.add.s32.msk $0xffff, v10  }
0x24: {  	[tilespmem:v13+s10+$0x0] =	vst.idx.add.s32.msk $0xffff, v2  }
0x25: {  	v10 =	vld [tilespmem:s14+$0x10]  }
0x26: {  	v11 =	vld [tilespmem:s14+$0x4010];
	_ =	sdelay $0x3  }
0x27: {  	v50 =	vshll.u32 v10, $0x7  }
0x28: {  	v51 =	vshll.u32 v11, $0x7;
	v12 =	vor.u32 v0, v50  }
0x29: {  	v13 =	vor.u32 v3, v51;
	_ =	sdelay $0x1  }
0x2a: {  	vm9 =	veq.s32 v10, v11  }
0x2b: {  	v10 =	vsel vm9, $0x8001, v2  }
0x2c: {  	[tilespmem:v12+s10+$0x0] =	vst.idx.add.s32.msk $0xffff, v10  }
0x2d: {  	[tilespmem:v13+s10+$0x0] =	vst.idx.add.s32.msk $0xffff, v2  }
0x2e: {  	v10 =	vld [tilespmem:s14+$0x20]  }
0x2f: {  	v11 =	vld [tilespmem:s14+$0x4020];
	_ =	sdelay $0x3  }
0x30: {  	v52 =	vshll.u32 v10, $0x7  }
0x31: {  	v53 =	vshll.u32 v11, $0x7;
	v12 =	vor.u32 v0, v52  }
0x32: {  	v13 =	vor.u32 v3, v53;
	_ =	sdelay $0x1  }
0x33: {  	vm10 =	veq.s32 v10, v11  }
0x34: {  	v10 =	vsel vm10, $0x8001, v2  }
0x35: {  	[tilespmem:v12+s10+$0x0] =	vst.idx.add.s32.msk $0xffff, v10  }
0x36: {  	[tilespmem:v13+s10+$0x0] =	vst.idx.add.s32.msk $0xffff, v2  }
0x37: {  	v10 =	vld [tilespmem:s14+$0x30]  }
0x38: {  	v11 =	vld [tilespmem:s14+$0x4030];
	_ =	sdelay $0x3  }
0x39: {  	v54 =	vshll.u32 v10, $0x7  }
0x3a: {  	v55 =	vshll.u32 v11, $0x7;
	v12 =	vor.u32 v0, v54  }
0x3b: {  	v13 =	vor.u32 v3, v55;
	_ =	sdelay $0x1  }
0x3c: {  	vm11 =	veq.s32 v10, v11  }
0x3d: {  	v10 =	vsel vm11, $0x8001, v2  }
0x3e: {  	[tilespmem:v12+s10+$0x0] =	vst.idx.add.s32.msk $0xffff, v10  }
0x3f: {  	[tilespmem:v13+s10+$0x0] =	vst.idx.add.s32.msk $0xffff, v2  }
0x40: {  	v10 =	vld [tilespmem:s14+$0x40]  }
0x41: {  	v11 =	vld [tilespmem:s14+$0x4040];
	_ =	sdelay $0x3  }
0x42: {  	v56 =	vshll.u32 v10, $0x7  }
0x43: {  	v57 =	vshll.u32 v11, $0x7;
	v12 =	vor.u32 v0, v56  }
0x44: {  	v13 =	vor.u32 v3, v57;
	_ =	sdelay $0x1  }
0x45: {  	vm12 =	veq.s32 v10, v11  }
0x46: {  	v10 =	vsel vm12, $0x8001, v2  }
0x47: {  	[tilespmem:v12+s10+$0x0] =	vst.idx.add.s32.msk $0xffff, v10  }
0x48: {  	[tilespmem:v13+s10+$0x0] =	vst.idx.add.s32.msk $0xffff, v2  }
0x49: {  	v10 =	vld [tilespmem:s14+$0x50]  }
0x4a: {  	v11 =	vld [tilespmem:s14+$0x4050];
	_ =	sdelay $0x3  }
0x4b: {  	v58 =	vshll.u32 v10, $0x7  }
0x4c: {  	v59 =	vshll.u32 v11, $0x7;
	v12 =	vor.u32 v0, v58  }
0x4d: {  	v13 =	vor.u32 v3, v59;
	_ =	sdelay $0x1  }
0x4e: {  	vm13 =	veq.s32 v10, v11  }
0x4f: {  	v10 =	vsel vm13, $0x8001, v2  }
0x50: {  	[tilespmem:v12+s10+$0x0] =	vst.idx.add.s32.msk $0xffff, v10  }
0x51: {  	[tilespmem:v13+s10+$0x0] =	vst.idx.add.s32.msk $0xffff, v2  }
0x52: {  	v10 =	vld [tilespmem:s14+$0x60]  }
0x53: {  	v11 =	vld [tilespmem:s14+$0x4060];
	_ =	sdelay $0x3  }
0x54: {  	v60 =	vshll.u32 v10, $0x7  }
0x55: {  	v61 =	vshll.u32 v11, $0x7;
	v12 =	vor.u32 v0, v60  }
0x56: {  	v13 =	vor.u32 v3, v61;
	_ =	sdelay $0x1  }
0x57: {  	vm14 =	veq.s32 v10, v11  }
0x58: {  	v10 =	vsel vm14, $0x8001, v2  }
0x59: {  	[tilespmem:v12+s10+$0x0] =	vst.idx.add.s32.msk $0xffff, v10  }
0x5a: {  	[tilespmem:v13+s10+$0x0] =	vst.idx.add.s32.msk $0xffff, v2  }
0x5b: {  	v10 =	vld [tilespmem:s14+$0x70]  }
0x5c: {  	v11 =	vld [tilespmem:s14+$0x4070];
	_ =	sdelay $0x3  }
0x5d: {  	v62 =	vshll.u32 v10, $0x7  }
0x5e: {  	v63 =	vshll.u32 v11, $0x7;
	v12 =	vor.u32 v0, v62  }
0x5f: {  	p1 =	sne.s32 s13, $0xFE00;
	v13 =	vor.u32 v3, v63  }
.Ltmp1:
0x60: {  	_ = 	snop;
	(pc) =	sbr.rel @p1 .LBB2_4-.Ltmp1, $4  }
0x61: {  	vm15 =	veq.s32 v10, v11  }
0x62: {  	v10 =	vsel vm15, $0x8001, v2  }
0x63: {  	[tilespmem:v12+s10+$0x0] =	vst.idx.add.s32.msk $0xffff, v10  }
0x64: {  	s13 =	sadd.s32 $0x200, s13;
	[tilespmem:v13+s10+$0x0] =	vst.idx.add.s32.msk $0xffff, v2  }
0x65: {  	s13 =	simm.s32 $0x0  }
0x66: {  	v10 =	vld [tilespmem:s13+$0x8000];
	_ =	sdelay $0x4  }
0x67: {  	v11 =	vand.u32 $0x7FFF, v10  }
0x68: {  	s15 =	simm.s32 $0x80;
	s14 =	simm.s32 $0x400;
	v10 =	vshrl.u32 v10, $0xF;
	[tilespmem:s13+$0x8000] =	vst v11  }
.LBB2_6:
0x69: {  	p1 =	sne.s32 s14, $0xFE00;
	v11 =	vld [tilespmem:s15+$0x8000];
	[tilespmem:s13+$0x8020] =	vst v10;
	s13 =	smov.u32 s15;
	_ =	sdelay $0x1  }
.Ltmp2:
0x6a: {  	(pc) =	sbr.rel @p1 .LBB2_6-.Ltmp2, $3  }
0x6b: {  	_ =	sdelay $0x1  }
0x6c: {  	v12 =	vand.u32 $0x7FFF, v11;
	v10 =	vshrl.u32 v11, $0xF  }
0x6d: {  	s15 =	sshra.s32 s14, $0x2;
	s14 =	sadd.s32 $0x200, s14;
	[tilespmem:s13+$0x8000] =	vst v12  }
0x6e: {  	v11 =	vld [tilespmem:s15+$0x8000];
	_ =	sdelay $0x4  }
0x6f: {  	[tilespmem:s13+$0x8020] =	vst v10;
	v10 =	vand.u32 $0x7FFF, v11  }
0x70: {  	v11 =	vshrl.u32 v11, $0xF;
	[tilespmem:s15+$0x8000] =	vst v10  }
0x71: {  	[tilespmem:s15+$0x8020] =	vst v11  }
0x72: {  	[tilespmem:$0xC000] =	vst v0  }
0x73: {  	[tilespmem:$0xC010] =	vst v3  }
0x74: {  	[tilespmem:$0xC020] =	vst v4  }
0x75: {  	[tilespmem:$0xC030] =	vst v5  }
0x76: {  	[tilespmem:$0xC040] =	vst v6  }
0x77: {  	[tilespmem:$0xC050] =	vst v7  }
0x78: {  	[tilespmem:$0xC060] =	vst v8  }
0x79: {  	s13 =	simm.s32 @p0 $0x8000;
	[tilespmem:$0xC070] =	vst v9  }
0x7a: {  	[spmem:s1] =	stream.linear.scatter @p0 [tilespmem:s13], [sflag:$0x1], $0x4000, $0x38;
	[tilespmem:$0xC480] =	vst v63  }
0x7b: {  	s13 =	simm.s32 @p0 $0x1  }
0x7c: {  	_ =	swait.ge @p0 [sflag:s13], $0x4000  }
0x7d: {  	[sflag:s13] =	ssyncset.done @p0 $0x0  }
0x7e: {  	[sflag:s13] =	ssyncadd.s32 @p0 $0xFFFFC000  }
0x7f: {  	[bflag:$0x0] =	sbarrier.arrive @p0 $0xFFFF  }
0x80: {  	s14 =	simm.s32 @p0 $0x1C01;
	[bflag:$0x0] =	sbarrier.arrive @p0 $0xFFFF  }
0x81: {  	[hbm:s6], [sflag:s14] =	dma.local @p0 [spmem:s11], $0x800  }
0x82: {  	_ =	swait.ge @p0 [sflag:s13], $0x800  }
0x83: {  	[sflag:s13] =	ssyncset.done @p0 $0x0  }
0x84: {  	s12 =	sadd.s32 $0x1, s12;
	s15 =	simm.s32 @!p0 $0x8000;
	[sflag:s13] =	ssyncadd.s32 @p0 $0xFFFFF800  }
0x85: {  	s14 =	simm.s32 @!p0 $0xC000;
	s13 =	simm.s32 @!p0 $0x80;
	[bflag:$0x0] =	sbarrier.arrive @!p0 $0xFFFF  }
0x86: {  	[spmem:s1] =	stream.indirect.scatter.add.s32 @!p0 [tilespmem:s15], [sflag:$0x1], $0x80, s14, s13, $0xb8;
	[tilespmem:$0xC480] =	vst v63  }
0x87: {  	p1 =	sne.s32 s12, s7;
	s13 =	simm.s32 @!p0 $0x1  }
.Ltmp3:
0x88: {  	_ =	swait.ge @!p0 [sflag:s13], $0x4000;
	(pc) =	sbr.rel @p1 .LBB2_1-.Ltmp3, $3  }
0x89: {  	[sflag:s13] =	ssyncset.done @!p0 $0x0  }
0x8a: {  	[sflag:s13] =	ssyncadd.s32 @!p0 $0xFFFFC000  }
0x8b: {  	[bflag:$0x0] =	sbarrier.arrive @!p0 $0xFFFF;
	_ =	sdelay $0x1  }
0x8c: {  	_ =	sfence.sel $0x180000  }
0x8d: {  	[bflag:$0x0] =	sbarrier.arrive $0xFFFF  }
0x8e: {  	p0 =	sne.s32 s2, $0x0;
	_ =	strace $0x90000047  }
0x8f: {  	s0 =	sadd.s32 @!p0 $0x100000, s0;
	[bflag:$0x2] =	sbarrier.arrive $0xFFFF  }
0x90: {  	[sflag:s0] =	ssyncadd.tile.s32 @!p0 $0x1;
	_ =	shalt  }
.Lfunc_end2:
_tile_overlayer_lowered:
.L_overlay_start_2:
0x91: {  	(tag) =	ssettag $0x2  }
0x92: {  	s0 =	rddreg [dreg:$0x0];
	s2 =	stileid.u32  }
0x93: {  	s1 =	rddreg [dreg:$0x1];
	p0 =	sne.s32 s2, $0x0  }
0x94: {  	s3 =	rddreg [dreg:$0x2];
	[bflag:$0x3] =	sbarrier.arrive $0xFFFF;
	s2 =	simm.s32 @!p0 $0x1C01  }
0x95: {  	[timem:s3], [sflag:s2] =	dma.local @!p0 [hbm:s0], s1  }
0x96: {  	s0 =	simm.s32 @!p0 $0x1  }
0x97: {  	_ =	swait.ge @!p0 [sflag:s0], s1  }
0x98: {  	s1 =	ssub.s32 @!p0 $0x0, s1;
	[sflag:s0] =	ssyncset.done @!p0 $0x0  }
0x99: {  	[sflag:s0] =	ssyncadd.s32 @!p0 s1  }
0x9a: {  	[bflag:$0x3] =	sbarrier.arrive $0xFFFF  }
0x9b: {  	_ =	shalt  }

</sc_bundles>
